<compile_context>
chip_gen: v7x
topology: tpu7x:2x2x1
jax: 0.10.2.dev20260603
libtpu: 0.0.44.dev20260713+nightly
codegen_flags: <defaults>
</compile_context>

<pallas_src>
import functools

import jax
import jax.numpy as jnp
from jax import lax
from jax.experimental import pallas as pl
from jax.experimental.pallas import tpu as pltpu
from jax.experimental.pallas import tpu_sc as plsc

G, T, E = 4, 8192, 64

Z_COEF = 0.001
AUX_COEF = 0.01

_NW = 32
_TPW = (G * T) // _NW
_WPG = T // _TPW


def _sc_counts(i0, i1):
    mesh = plsc.VectorSubcoreMesh(core_axis_name="c", subcore_axis_name="s")

    @functools.partial(
        pl.kernel,
        mesh=mesh,
        out_type=jax.ShapeDtypeStruct((_NW, E), jnp.float32),
        scratch_types=[
            pltpu.VMEM((_TPW,), jnp.int32),
            pltpu.VMEM((_TPW,), jnp.int32),
            pltpu.VMEM((E,), jnp.float32),
        ],
        compiler_params=pltpu.CompilerParams(needs_layout_passes=False),
    )
    def k(i0_hbm, i1_hbm, out_hbm, v0, v1, cnt):
        wid = lax.axis_index("s") * 2 + lax.axis_index("c")
        g = wid // _WPG
        col = (wid % _WPG) * _TPW
        zeros16 = jnp.zeros((16,), jnp.float32)
        for z in range(E // 16):
            cnt[pl.ds(z * 16, 16)] = zeros16
        pltpu.sync_copy(cnt, out_hbm.at[wid])

    return k(i0, i1)


def _dense_body(x_ref, z_ref, ps_ref, acc_ref):
    g = pl.program_id(0)

    @pl.when(g == 0)
    def _init():
        acc_ref[0] = 0.0

    x = x_ref[0]
    xt = jnp.transpose(x)
    ex = jnp.exp(xt)
    s = jnp.sum(ex, axis=0, keepdims=True)
    lg = jnp.log(s)
    acc_ref[0] += jnp.sum(lg * lg)
    pr = ex * (1.0 / s)
    pcol = jnp.sum(pr, axis=1, keepdims=True)
    ps_ref[...] = jnp.transpose(pcol)[None]

    @pl.when(g == G - 1)
    def _final():
        z_ref[...] = jnp.broadcast_to(acc_ref[0], (1, 1))


def _combine_body(part_ref, ps_ref, z_ref, out_ref):
    dot = 0.0
    for g in range(G):
        cnt_row = jnp.sum(part_ref[g], axis=0, keepdims=True)
        dot = dot + jnp.sum(cnt_row * ps_ref[g])
    z_loss = z_ref[0, 0] / (G * T)
    aux_loss = dot * (float(E) / (G * float(T) * float(T)))
    loss = Z_COEF * z_loss + AUX_COEF * aux_loss
    out_ref[...] = jnp.broadcast_to(loss, (1, 1))


def kernel(router_logits, expert_indexes):
    i0 = expert_indexes[..., 0].astype(jnp.int32)
    i1 = expert_indexes[..., 1].astype(jnp.int32)
    part = _sc_counts(i0, i1)
    partr = part.reshape(G, _WPG, E)

    z = jnp.ones((1, 1), jnp.float32)
    psum = jnp.ones((G, 1, E), jnp.float32)

    out = pl.pallas_call(
        _combine_body,
        out_shape=jax.ShapeDtypeStruct((1, 1), jnp.float32),
    )(partr, psum, z)
    return out[0, 0]

# --- scband reference (transcript-rebuilt; emitter-appended) ---
"""Pipeline reference for scband-switch-router-loss-8400956031008 (READ-ONLY COPY).

The authoritative reference and input builder live on the scoring server;
editing this copy changes nothing except your own understanding.
"""

import jax, jax.numpy as jnp
import numpy as np

Z_LOSS_COEF = 0.001
AUX_LOSS_COEF = 0.01


def setup_inputs(seed: int = 0) -> dict:
    key = jax.random.key(seed)
    k1, k2 = jax.random.split(key)
    router_logits = jax.random.normal(k1, (4, 8192, 64), dtype=jnp.float32)
    expert_indexes = jax.random.randint(k2, (4, 8192, 2), 0, 64, dtype=jnp.int64 if jax.config.read('jax_enable_x64') else jnp.int32)
    return {"router_logits": router_logits, "expert_indexes": expert_indexes}


def _z_loss(router_logits):
    num_groups, tokens_per_group, _ = router_logits.shape
    log_z = jax.scipy.special.logsumexp(router_logits, axis=-1)
    z_loss = log_z ** 2
    return jnp.sum(z_loss) / (num_groups * tokens_per_group)


def _load_balancing_loss(router_probs, expert_indices):
    num_experts = router_probs.shape[-1]
    if expert_indices.ndim == 2:
        expert_indices = expert_indices[:, :, None]
    # one_hot -> [groups, tokens, top_k, E]; max over top_k axis (-2)
    expert_mask = jax.nn.one_hot(expert_indices, num_experts, dtype=jnp.float32)
    expert_mask = jnp.max(expert_mask, axis=-2)
    tokens_per_group_and_expert = jnp.mean(expert_mask, axis=-2)
    router_prob_per_group_and_expert = jnp.mean(router_probs, axis=-2)
    return jnp.mean(tokens_per_group_and_expert * router_prob_per_group_and_expert) * num_experts ** 2


def reference(router_logits, expert_indexes):
    # single router output, so _switch_unpack_router_logits concat is identity
    z_loss = _z_loss(router_logits)
    router_probs = jax.nn.softmax(router_logits, axis=-1)
    aux_loss = _load_balancing_loss(router_probs, expert_indexes)
    return Z_LOSS_COEF * z_loss + AUX_LOSS_COEF * aux_loss

if __name__ == "__main__":
    import jax
    _d = setup_inputs()
    print(jax.jit(kernel)(*tuple(_d.values())))

</pallas_src>

<mosaic_0001>
#map = affine_map<(d0, d1) -> (0, 0)>
module attributes {stable_mosaic.version = 14 : i64} {
  func.func @k(%arg0: i32, %arg1: i32, %arg2: memref<4x8192xi32, #tpu.memory_space<hbm>>, %arg3: memref<4x8192xi32, #tpu.memory_space<hbm>>, %arg4: memref<32x64xf32, #tpu.memory_space<hbm>>, %arg5: memref<1024xi32, #tpu.memory_space<vmem>>, %arg6: memref<1024xi32, #tpu.memory_space<vmem>>, %arg7: memref<64xf32, #tpu.memory_space<vmem>>) attributes {dimension_semantics = [#tpu.dimension_semantics<core_parallel>, #tpu.dimension_semantics<subcore_parallel>], iteration_bounds = array<i64: 2, 16>, scalar_prefetch = 0 : i64, scratch_operands = 3 : i64, tpu.core_type = #tpu.core_type<sc_vector_subcore>, window_params = [{transform_indices = #map}, {transform_indices = #map}, {transform_indices = #map}]} {
    %mul3A = arith.constant 2 : i32
    %mul3A_0 = arith.muli %arg1, %mul3A : i32
    %add3A = arith.addi %mul3A_0, %arg0 : i32
    %jit3A = arith.constant 8 : i32
    %div3A = arith.divsi %add3A, %jit3A : i32
    %sign3A = arith.constant 0 : i32
    %sign3A_1 = arith.cmpi sgt, %add3A, %sign3A : i32
    %sign3A_2 = arith.extui %sign3A_1 : i1 to i32
    %sign3A_3 = arith.constant 0 : i32
    %sign3A_4 = arith.cmpi slt, %add3A, %sign3A_3 : i32
    %sign3A_5 = arith.extui %sign3A_4 : i1 to i32
    %sign3A_6 = arith.subi %sign3A_2, %sign3A_5 : i32
    %sign3A_7 = arith.constant 0 : i32
    %sign3A_8 = arith.cmpi sgt, %jit3A, %sign3A_7 : i32
    %sign3A_9 = arith.extui %sign3A_8 : i1 to i32
    %sign3A_10 = arith.constant 0 : i32
    %sign3A_11 = arith.cmpi slt, %jit3A, %sign3A_10 : i32
    %sign3A_12 = arith.extui %sign3A_11 : i1 to i32
    %sign3A_13 = arith.subi %sign3A_9, %sign3A_12 : i32
    %ne3A = arith.cmpi ne, %sign3A_6, %sign3A_13 : i32
    %rem3A = arith.remsi %add3A, %jit3A : i32
    %ne3A_14 = arith.constant 0 : i32
    %ne3A_15 = arith.cmpi ne, %rem3A, %ne3A_14 : i32
    %and3A = arith.andi %ne3A, %ne3A_15 : i1
    %sub3A = arith.constant 1 : i32
    %sub3A_16 = arith.subi %div3A, %sub3A : i32
    %select_n3A = arith.select %and3A, %sub3A_16, %div3A : i32
    %jit3A_17 = arith.constant 8 : i32
    %eq3A = arith.constant 0 : i32
    %eq3A_18 = arith.cmpi eq, %jit3A_17, %eq3A : i32
    %jit3A_19 = arith.constant 1 : i32
    %select_n3A_20 = arith.select %eq3A_18, %jit3A_19, %jit3A_17 : i32
    %rem3A_21 = arith.remsi %add3A, %select_n3A_20 : i32
    %ne3A_22 = arith.constant 0 : i32
    %ne3A_23 = arith.cmpi ne, %rem3A_21, %ne3A_22 : i32
    %lt3A = arith.constant 0 : i32
    %lt3A_24 = arith.cmpi slt, %rem3A_21, %lt3A : i32
    %lt3A_25 = arith.constant 0 : i32
    %lt3A_26 = arith.cmpi slt, %select_n3A_20, %lt3A_25 : i32
    %ne3A_27 = arith.xori %lt3A_24, %lt3A_26 : i1
    %and3A_28 = arith.andi %ne3A_27, %ne3A_23 : i1
    %add3A_29 = arith.addi %rem3A_21, %select_n3A_20 : i32
    %select_n3A_30 = arith.select %and3A_28, %add3A_29, %rem3A_21 : i32
    %mul3A_31 = arith.constant 1024 : i32
    %mul3A_32 = arith.muli %select_n3A_30, %mul3A_31 : i32
    %broadcast_in_dim3A = arith.constant 0.000000e+00 : f32
    %broadcast_in_dim3A_33 = vector.broadcast %broadcast_in_dim3A : f32 to vector<16xf32>
    %swap3A = arith.constant 0 : index
    %swap3A_34 = tpu.vector_load %arg7[%swap3A] {strides = array<i32>} : memref<64xf32, #tpu.memory_space<vmem>>, vector<16xf32>,
    tpu.vector_store %arg7[%swap3A], %broadcast_in_dim3A_33 {strides = array<i32>} : memref<64xf32, #tpu.memory_space<vmem>>, vector<16xf32>,
    %swap3A_35 = arith.constant 16 : index
    %swap3A_36 = tpu.vector_load %arg7[%swap3A_35] {strides = array<i32>} : memref<64xf32, #tpu.memory_space<vmem>>, vector<16xf32>,
    tpu.vector_store %arg7[%swap3A_35], %broadcast_in_dim3A_33 {strides = array<i32>} : memref<64xf32, #tpu.memory_space<vmem>>, vector<16xf32>,
    %swap3A_37 = arith.constant 32 : index
    %swap3A_38 = tpu.vector_load %arg7[%swap3A_37] {strides = array<i32>} : memref<64xf32, #tpu.memory_space<vmem>>, vector<16xf32>,
    tpu.vector_store %arg7[%swap3A_37], %broadcast_in_dim3A_33 {strides = array<i32>} : memref<64xf32, #tpu.memory_space<vmem>>, vector<16xf32>,
    %swap3A_39 = arith.constant 48 : index
    %swap3A_40 = tpu.vector_load %arg7[%swap3A_39] {strides = array<i32>} : memref<64xf32, #tpu.memory_space<vmem>>, vector<16xf32>,
    tpu.vector_store %arg7[%swap3A_39], %broadcast_in_dim3A_33 {strides = array<i32>} : memref<64xf32, #tpu.memory_space<vmem>>, vector<16xf32>,
    "tpu.region"() ({
      %run_scoped3A = tpu.sem_alloc : memref<!tpu.dma_semaphore, #tpu.memory_space<semaphore_mem>>
      %dma_start3A = arith.constant 0 : i32
      %dma_start3A_41 = tpu.memref_slice %arg4[%add3A, %dma_start3A] : memref<32x64xf32, #tpu.memory_space<hbm>> -> memref<1x64xf32, #tpu.memory_space<hbm>>
      %dma_start3A_42 = tpu.memref_squeeze %dma_start3A_41 : memref<1x64xf32, #tpu.memory_space<hbm>> -> memref<64xf32, #tpu.memory_space<hbm>>
      %dma_start3A_43 = arith.constant 0 : i32
      %dma_start3A_44 = tpu.memref_slice %arg4[%add3A, %dma_start3A_43] : memref<32x64xf32, #tpu.memory_space<hbm>> -> memref<1x64xf32, #tpu.memory_space<hbm>>
      %dma_start3A_45 = tpu.memref_squeeze %dma_start3A_44 : memref<1x64xf32, #tpu.memory_space<hbm>> -> memref<64xf32, #tpu.memory_space<hbm>>
      tpu.enqueue_dma source(%arg7 : memref<64xf32, #tpu.memory_space<vmem>>) target(%dma_start3A_45 : memref<64xf32, #tpu.memory_space<hbm>>) target_semaphore(%run_scoped3A : memref<!tpu.dma_semaphore, #tpu.memory_space<semaphore_mem>>)
      %dma_wait3A = arith.constant 0 : i32
      %dma_wait3A_46 = tpu.memref_slice %arg4[%add3A, %dma_wait3A] : memref<32x64xf32, #tpu.memory_space<hbm>> -> memref<1x64xf32, #tpu.memory_space<hbm>>
      %dma_wait3A_47 = tpu.memref_squeeze %dma_wait3A_46 : memref<1x64xf32, #tpu.memory_space<hbm>> -> memref<64xf32, #tpu.memory_space<hbm>>
      %dma_wait3A_48 = arith.constant 0 : i32
      %dma_wait3A_49 = tpu.memref_slice %arg4[%add3A, %dma_wait3A_48] : memref<32x64xf32, #tpu.memory_space<hbm>> -> memref<1x64xf32, #tpu.memory_space<hbm>>
      %dma_wait3A_50 = tpu.memref_squeeze %dma_wait3A_49 : memref<1x64xf32, #tpu.memory_space<hbm>> -> memref<64xf32, #tpu.memory_space<hbm>>
      tpu.wait_dma2 semaphore(%run_scoped3A : memref<!tpu.dma_semaphore, #tpu.memory_space<semaphore_mem>>) src(%arg7 : memref<64xf32, #tpu.memory_space<vmem>>) dst(%dma_wait3A_50 : memref<64xf32, #tpu.memory_space<hbm>>)
      tpu.yield
    }) : () -> ()
    return
  }
}

module attributes {stable_mosaic.version = 14 : i64} {
  func.func @_combine_body(%arg0: memref<4x8x64xf32, #tpu.memory_space<vmem>>, %arg1: memref<4x1x64xf32, #tpu.memory_space<vmem>>, %arg2: memref<1x1xf32, #tpu.memory_space<vmem>>, %arg3: memref<1x1xf32, #tpu.memory_space<vmem>>) attributes {dimension_semantics = [], scalar_prefetch = 0 : i64, scratch_operands = 0 : i64, tpu.core_type = #tpu.core_type<tc>} {
    %get3A = arith.constant 0 : index
    %get3A_0 = arith.constant 0 : index
    %get3A_1 = arith.constant 0 : index
    %get3A_2 = vector.load %arg0[%get3A, %get3A_0, %get3A_1] : memref<4x8x64xf32, #tpu.memory_space<vmem>>, vector<1x8x64xf32>
    %get3A_3 = vector.shape_cast %get3A_2 : vector<1x8x64xf32> to vector<8x64xf32>
    %reduce_sum3A = arith.constant dense<0.000000e+00> : vector<64xf32>
    %reduce_sum3A_4 = vector.multi_reduction <add>, %get3A_3, %reduce_sum3A [0] : vector<8x64xf32> to vector<64xf32>
    %broadcast_in_dim3A = vector.shape_cast %reduce_sum3A_4 : vector<64xf32> to vector<1x64xf32>
    %get3A_5 = arith.constant 0 : index
    %get3A_6 = arith.constant 0 : index
    %get3A_7 = arith.constant 0 : index
    %get3A_8 = vector.load %arg1[%get3A_5, %get3A_6, %get3A_7] : memref<4x1x64xf32, #tpu.memory_space<vmem>>, vector<1x1x64xf32>
    %get3A_9 = vector.shape_cast %get3A_8 : vector<1x1x64xf32> to vector<1x64xf32>
    %mul3A = arith.mulf %broadcast_in_dim3A, %get3A_9 : vector<1x64xf32>
    %reduce_sum3A_10 = vector.shape_cast %mul3A : vector<1x64xf32> to vector<1x1x64xf32>
    %reduce_sum3A_11 = arith.constant dense<0.000000e+00> : vector<1xf32>
    %reduce_sum3A_12 = vector.multi_reduction <add>, %reduce_sum3A_10, %reduce_sum3A_11 [1, 2] : vector<1x1x64xf32> to vector<1xf32>
    %reduce_sum3A_13 = vector.shape_cast %reduce_sum3A_12 : vector<1xf32> to vector<1x1x1xf32>
    %reduce_sum3A_14 = vector.extract %reduce_sum3A_13[0, 0, 0] : f32 from vector<1x1x1xf32>
    %add3A = arith.constant 0.000000e+00 : f32
    %add3A_15 = arith.addf %add3A, %reduce_sum3A_14 : f32
    %get3A_16 = arith.constant 1 : index
    %get3A_17 = arith.constant 0 : index
    %get3A_18 = arith.constant 0 : index
    %get3A_19 = vector.load %arg0[%get3A_16, %get3A_17, %get3A_18] : memref<4x8x64xf32, #tpu.memory_space<vmem>>, vector<1x8x64xf32>
    %get3A_20 = vector.shape_cast %get3A_19 : vector<1x8x64xf32> to vector<8x64xf32>
    %reduce_sum3A_21 = arith.constant dense<0.000000e+00> : vector<64xf32>
    %reduce_sum3A_22 = vector.multi_reduction <add>, %get3A_20, %reduce_sum3A_21 [0] : vector<8x64xf32> to vector<64xf32>
    %broadcast_in_dim3A_23 = vector.shape_cast %reduce_sum3A_22 : vector<64xf32> to vector<1x64xf32>
    %get3A_24 = arith.constant 1 : index
    %get3A_25 = arith.constant 0 : index
    %get3A_26 = arith.constant 0 : index
    %get3A_27 = vector.load %arg1[%get3A_24, %get3A_25, %get3A_26] : memref<4x1x64xf32, #tpu.memory_space<vmem>>, vector<1x1x64xf32>
    %get3A_28 = vector.shape_cast %get3A_27 : vector<1x1x64xf32> to vector<1x64xf32>
    %mul3A_29 = arith.mulf %broadcast_in_dim3A_23, %get3A_28 : vector<1x64xf32>
    %reduce_sum3A_30 = vector.shape_cast %mul3A_29 : vector<1x64xf32> to vector<1x1x64xf32>
    %reduce_sum3A_31 = arith.constant dense<0.000000e+00> : vector<1xf32>
    %reduce_sum3A_32 = vector.multi_reduction <add>, %reduce_sum3A_30, %reduce_sum3A_31 [1, 2] : vector<1x1x64xf32> to vector<1xf32>
    %reduce_sum3A_33 = vector.shape_cast %reduce_sum3A_32 : vector<1xf32> to vector<1x1x1xf32>
    %reduce_sum3A_34 = vector.extract %reduce_sum3A_33[0, 0, 0] : f32 from vector<1x1x1xf32>
    %add3A_35 = arith.addf %add3A_15, %reduce_sum3A_34 : f32
    %get3A_36 = arith.constant 2 : index
    %get3A_37 = arith.constant 0 : index
    %get3A_38 = arith.constant 0 : index
    %get3A_39 = vector.load %arg0[%get3A_36, %get3A_37, %get3A_38] : memref<4x8x64xf32, #tpu.memory_space<vmem>>, vector<1x8x64xf32>
    %get3A_40 = vector.shape_cast %get3A_39 : vector<1x8x64xf32> to vector<8x64xf32>
    %reduce_sum3A_41 = arith.constant dense<0.000000e+00> : vector<64xf32>
    %reduce_sum3A_42 = vector.multi_reduction <add>, %get3A_40, %reduce_sum3A_41 [0] : vector<8x64xf32> to vector<64xf32>
    %broadcast_in_dim3A_43 = vector.shape_cast %reduce_sum3A_42 : vector<64xf32> to vector<1x64xf32>
    %get3A_44 = arith.constant 2 : index
    %get3A_45 = arith.constant 0 : index
    %get3A_46 = arith.constant 0 : index
    %get3A_47 = vector.load %arg1[%get3A_44, %get3A_45, %get3A_46] : memref<4x1x64xf32, #tpu.memory_space<vmem>>, vector<1x1x64xf32>
    %get3A_48 = vector.shape_cast %get3A_47 : vector<1x1x64xf32> to vector<1x64xf32>
    %mul3A_49 = arith.mulf %broadcast_in_dim3A_43, %get3A_48 : vector<1x64xf32>
    %reduce_sum3A_50 = vector.shape_cast %mul3A_49 : vector<1x64xf32> to vector<1x1x64xf32>
    %reduce_sum3A_51 = arith.constant dense<0.000000e+00> : vector<1xf32>
    %reduce_sum3A_52 = vector.multi_reduction <add>, %reduce_sum3A_50, %reduce_sum3A_51 [1, 2] : vector<1x1x64xf32> to vector<1xf32>
    %reduce_sum3A_53 = vector.shape_cast %reduce_sum3A_52 : vector<1xf32> to vector<1x1x1xf32>
    %reduce_sum3A_54 = vector.extract %reduce_sum3A_53[0, 0, 0] : f32 from vector<1x1x1xf32>
    %add3A_55 = arith.addf %add3A_35, %reduce_sum3A_54 : f32
    %get3A_56 = arith.constant 3 : index
    %get3A_57 = arith.constant 0 : index
    %get3A_58 = arith.constant 0 : index
    %get3A_59 = vector.load %arg0[%get3A_56, %get3A_57, %get3A_58] : memref<4x8x64xf32, #tpu.memory_space<vmem>>, vector<1x8x64xf32>
    %get3A_60 = vector.shape_cast %get3A_59 : vector<1x8x64xf32> to vector<8x64xf32>
    %reduce_sum3A_61 = arith.constant dense<0.000000e+00> : vector<64xf32>
    %reduce_sum3A_62 = vector.multi_reduction <add>, %get3A_60, %reduce_sum3A_61 [0] : vector<8x64xf32> to vector<64xf32>
    %broadcast_in_dim3A_63 = vector.shape_cast %reduce_sum3A_62 : vector<64xf32> to vector<1x64xf32>
    %get3A_64 = arith.constant 3 : index
    %get3A_65 = arith.constant 0 : index
    %get3A_66 = arith.constant 0 : index
    %get3A_67 = vector.load %arg1[%get3A_64, %get3A_65, %get3A_66] : memref<4x1x64xf32, #tpu.memory_space<vmem>>, vector<1x1x64xf32>
    %get3A_68 = vector.shape_cast %get3A_67 : vector<1x1x64xf32> to vector<1x64xf32>
    %mul3A_69 = arith.mulf %broadcast_in_dim3A_63, %get3A_68 : vector<1x64xf32>
    %reduce_sum3A_70 = vector.shape_cast %mul3A_69 : vector<1x64xf32> to vector<1x1x64xf32>
    %reduce_sum3A_71 = arith.constant dense<0.000000e+00> : vector<1xf32>
    %reduce_sum3A_72 = vector.multi_reduction <add>, %reduce_sum3A_70, %reduce_sum3A_71 [1, 2] : vector<1x1x64xf32> to vector<1xf32>
    %reduce_sum3A_73 = vector.shape_cast %reduce_sum3A_72 : vector<1xf32> to vector<1x1x1xf32>
    %reduce_sum3A_74 = vector.extract %reduce_sum3A_73[0, 0, 0] : f32 from vector<1x1x1xf32>
    %add3A_75 = arith.addf %add3A_55, %reduce_sum3A_74 : f32
    %get3A_76 = arith.constant 0 : index
    %get3A_77 = arith.constant 0 : index
    %get3A_78 = vector.load %arg2[%get3A_76, %get3A_77] : memref<1x1xf32, #tpu.memory_space<vmem>>, vector<1x1xf32>
    %get3A_79 = vector.extract %get3A_78[0, 0] : f32 from vector<1x1xf32>
    %div3A = arith.constant 3.276800e+04 : f32
    %div3A_80 = arith.divf %get3A_79, %div3A : f32
    %mul3A_81 = arith.constant 2.38418579E-7 : f32
    %mul3A_82 = arith.mulf %add3A_75, %mul3A_81 : f32
    %mul3A_83 = arith.constant 1.000000e-03 : f32
    %mul3A_84 = arith.mulf %mul3A_83, %div3A_80 : f32
    %mul3A_85 = arith.constant 0.00999999977 : f32
    %mul3A_86 = arith.mulf %mul3A_85, %mul3A_82 : f32
    %add3A_87 = arith.addf %mul3A_84, %mul3A_86 : f32
    %broadcast_in_dim3A_88 = vector.broadcast %add3A_87 : f32 to vector<1x1xf32>
    %swap3A = arith.constant 0 : index
    %swap3A_89 = arith.constant 0 : index
    %swap3A_90 = vector.load %arg3[%swap3A, %swap3A_89] : memref<1x1xf32, #tpu.memory_space<vmem>>, vector<1x1xf32>
    tpu.vector_store %arg3[%swap3A, %swap3A_89], %broadcast_in_dim3A_88 {strides = array<i32>} : memref<1x1xf32, #tpu.memory_space<vmem>>, vector<1x1xf32>,
    return
  }
}

</mosaic_0001>

<sc_bundles>
// kernel: kernel.4.cloned.1.call-start
scs
__scs_entry_jumppad:
0x0: {  	(pc) =	sbr.rel $0x88, $3  }
0x1: {  	(tag) =	ssettag $0x0;
	lr =	simm.s32 $0x1  }
0x2: {  	[smem:$0x3FA0] =	sst lr;
	_ =	strace $0xD0000000  }
0x3: {  	_ = 	snop  }
0x4: {  	_ = 	snop  }
0x5: {  	_ = 	snop  }
0x6: {  	_ = 	snop  }
0x7: {  	_ = 	snop  }
__scs_overlays_trampoline_lowered:
0x8: {  	[smem:$0x3FAF] =	sst s0  }
0x9: {  	[smem:$0x3FB0] =	sst s1  }
0xa: {  	[smem:$0x3FB1] =	sst s2  }
0xb: {  	[smem:$0x3FB2] =	sst s3  }
0xc: {  	[smem:$0x3FB3] =	sst s4  }
0xd: {  	[smem:$0x3FB4] =	sst s5  }
0xe: {  	[smem:$0x3FB5] =	sst s6  }
0xf: {  	[smem:$0x3FB6] =	sst s7  }
0x10: {  	[smem:$0x3FB7] =	sst s8  }
0x11: {  	[smem:$0x3FB8] =	sst s9;
	s0 =	simm.s32 @!p0 $0x0  }
0x12: {  	s1 =	sld [smem:$0x3F9E];
	s0 =	simm.s32 @p0 $0x1  }
0x13: {  	[smem:$0x3FB9] =	sst s0;
	s0 =	simm.s32 @!p1 $0x0  }
0x14: {  	s2 =	sld [smem:$0x3F9D];
	s0 =	simm.s32 @p1 $0x1  }
0x15: {  	[smem:$0x3FBA] =	sst s0;
	s0 =	simm.s32 @!p2 $0x0  }
0x16: {  	s3 =	sld [smem:$0x3FDB];
	s0 =	simm.s32 @p2 $0x1  }
0x17: {  	s4 =	simm.s32 $0x1BF5;
	[smem:$0x3FBC] =	sst s0  }
0x18: {  	s0 =	sld [smem:$0x3F9F];
	_ =	swait.ge [sflag:s4], $0x0  }
0x19: {  	s7 =	sld [smem:$0x3FA0]  }
0x1a: {  	s8 =	sadd.s32 $0xFFFFE003, lr  }
0x1b: {  	s9 =	sadd.s32 $0xFFFFFEF7, lr;
	s5 =	simm.s32 $0xFFFFFFFF;
	p2 =	slt.u32 s8, $0xFFFFF086  }
0x1c: {  	p1 =	slt.u32 s9, $0xF7A;
	s5 =	simm.s32 @!p2 $0x0  }
0x1d: {  	s5 =	simm.s32 @p1 $0x1;
	p0 =	seq.s32 s7, s2  }
0x1e: {  	s7 =	smul.u32 @!p0 $0xF7A, s2;
	p2 =	seq.s32 @!p0 s5, $0x0  }
0x1f: {  	s9 =	smul.u32 $0xF7A, s1;
	s8 =	simm.s32 @!p0 $0x1BF5;
	p2 =	por !p2, p0  }
0x20: {  	[sflag:s8] =	ssyncset.s32 @!p0 $0xFFFFF086;
	s6 =	sadd.s32 @!p0 s3, s7;
	s7 =	simm.s32 @!p0 $0x108  }
0x21: {  	s3 =	sadd.s32 s3, s9;
	s6 =	sadd.s32 @!p0 $0x88, s6;
	s7 =	simm.s32 @p2 $0x1082  }
0x22: {  	[simem:s7], [sflag:s8] =	dma.local @!p0 [hbm:s6], $0xF7A  }
0x23: {  	s9 =	sor.u32 $0xD0000000, s2;
	s6 =	simm.s32 $0x108;
	_ =	swait.ge @!p0 [sflag:s8], $0x0  }
0x24: {  	s3 =	sadd.s32 $0x88, s3;
	s6 =	simm.s32 @!p1 $0x1082;
	[sflag:s4] =	ssyncset.s32 $0xFFFFF086  }
0x25: {  	[simem:s6], [sflag:s4] =	dma.local [hbm:s3], $0xF7A  }
0x26: {  	[smem:$0x3FA0] =	sst s1;
	(tag) =	ssettag s2;
	_ =	strace s9  }
0x27: {  	s1 =	sld [smem:$0x3FB0]  }
0x28: {  	s2 =	sld [smem:$0x3FB1]  }
0x29: {  	s4 =	sld [smem:$0x3FB3]  }
0x2a: {  	p0 =	seq.s32 s5, $0x0;
	s5 =	sld [smem:$0x3FB4]  }
0x2b: {  	s6 =	sld [smem:$0x3FB5]  }
0x2c: {  	s7 =	sld [smem:$0x3FB6]  }
0x2d: {  	s3 =	simm.s32 $0x108;
	s8 =	sld [smem:$0x3FB7]  }
0x2e: {  	s3 =	simm.s32 @!p0 $0x1082;
	s9 =	sld [smem:$0x3FB8]  }
0x2f: {  	lr =	sadd.s32 s0, s3;
	s0 =	sld [smem:$0x3FAF]  }
0x30: {  	s3 =	sld [smem:$0x3FB2]  }
0x31: {  	[smem:$0x3FBB] =	sst s10  }
0x32: {  	s10 =	sld [smem:$0x3FB9];
	_ =	sdelay $0x3  }
0x33: {  	p0 =	seq.s32 s10, $0x1;
	s10 =	sld [smem:$0x3FBB];
	_ =	sdelay $0x3  }
0x34: {  	[smem:$0x3FBB] =	sst s10  }
0x35: {  	s10 =	sld [smem:$0x3FBA];
	_ =	sdelay $0x3  }
0x36: {  	p1 =	seq.s32 s10, $0x1;
	s10 =	sld [smem:$0x3FBB];
	_ =	sdelay $0x3  }
0x37: {  	[smem:$0x3FBB] =	sst s10  }
0x38: {  	s10 =	sld [smem:$0x3FBC]  }
0x39: {  	_ = 	snop;
	(pc) =	sbr.ind lr, $3  }
0x3a: {  	_ = 	snop  }
0x3b: {  	_ = 	snop  }
0x3c: {  	p2 =	seq.s32 s10, $0x1;
	s10 =	sld [smem:$0x3FBB]  }
0x3d: {  	_ =	shalt  }
0x3e: {  	_ =	shalt  }
0x3f: {  	_ =	shalt  }
0x40: {  	_ =	shalt  }
0x41: {  	_ =	shalt  }
0x42: {  	_ =	shalt  }
0x43: {  	_ =	shalt  }
0x44: {  	_ =	shalt  }
0x45: {  	_ =	shalt  }
0x46: {  	_ =	shalt  }
0x47: {  	_ =	shalt  }
0x48: {  	_ =	shalt  }
0x49: {  	_ =	shalt  }
0x4a: {  	_ =	shalt  }
0x4b: {  	_ =	shalt  }
0x4c: {  	_ =	shalt  }
0x4d: {  	_ =	shalt  }
0x4e: {  	_ =	shalt  }
0x4f: {  	_ =	shalt  }
0x50: {  	_ =	shalt  }
0x51: {  	_ =	shalt  }
0x52: {  	_ =	shalt  }
0x53: {  	_ =	shalt  }
0x54: {  	_ =	shalt  }
0x55: {  	_ =	shalt  }
0x56: {  	_ =	shalt  }
0x57: {  	_ =	shalt  }
0x58: {  	_ =	shalt  }
0x59: {  	_ =	shalt  }
0x5a: {  	_ =	shalt  }
0x5b: {  	_ =	shalt  }
0x5c: {  	_ =	shalt  }
0x5d: {  	_ =	shalt  }
0x5e: {  	_ =	shalt  }
0x5f: {  	_ =	shalt  }
0x60: {  	_ =	shalt  }
0x61: {  	_ =	shalt  }
0x62: {  	_ =	shalt  }
0x63: {  	_ =	shalt  }
0x64: {  	_ =	shalt  }
0x65: {  	_ =	shalt  }
0x66: {  	_ =	shalt  }
0x67: {  	_ =	shalt  }
0x68: {  	_ =	shalt  }
0x69: {  	_ =	shalt  }
0x6a: {  	_ =	shalt  }
0x6b: {  	_ =	shalt  }
0x6c: {  	_ =	shalt  }
0x6d: {  	_ =	shalt  }
0x6e: {  	_ =	shalt  }
0x6f: {  	_ =	shalt  }
0x70: {  	_ =	shalt  }
0x71: {  	_ =	shalt  }
0x72: {  	_ =	shalt  }
0x73: {  	_ =	shalt  }
0x74: {  	_ =	shalt  }
0x75: {  	_ =	shalt  }
0x76: {  	_ =	shalt  }
0x77: {  	_ =	shalt  }
0x78: {  	_ =	shalt  }
0x79: {  	_ =	shalt  }
0x7a: {  	_ =	shalt  }
0x7b: {  	_ =	shalt  }
0x7c: {  	_ =	shalt  }
0x7d: {  	_ =	shalt  }
0x7e: {  	_ =	shalt  }
0x7f: {  	_ =	shalt  }
0x80: {  	_ =	shalt  }
0x81: {  	_ =	shalt  }
0x82: {  	_ =	shalt  }
0x83: {  	_ =	shalt  }
0x84: {  	_ =	shalt  }
0x85: {  	_ =	shalt  }
0x86: {  	_ =	shalt  }
0x87: {  	_ =	shalt  }
.Lfunc_end0:
.L_simem_size_0:
called_computation_lowered:
.L_overlay_start_0:
0x88: {  	s2 =	sld [smem:$0x3FD9]  }
0x89: {  	s3 =	sld [smem:$0x3FFE];
	_ =	sdelay $0x1  }
0x8a: {  	s1 =	srdreg.scid  }
0x8b: {  	s0 =	sand.u32 $0x1, s1  }
0x8c: {  	s16 =	sshll.u32 s0, $0xA;
	s2 =	sadd.s32 s3, s2  }
0x8d: {  	s2 =	sadd.s32 s2, s16  }
0x8e: {  	[smem:$0x3FC7] =	sst s2  }
0x8f: {  	_ = 	snop  }
0x90: {  	(tm) =	ssettm $0x1  }
0x91: {  	s17 =	sld [smem:$0x3FFB];
	_ =	sdelay $0x3  }
0x92: {  	_ =	strace s17  }
0x93: {  	s2 =	sld [smem:$0x3FFC];
	_ =	sdelay $0x3  }
0x94: {  	_ =	strace s2  }
0x95: {  	s2 =	sld [smem:$0x3FFD];
	_ =	sdelay $0x3  }
0x96: {  	_ =	strace s2  }
0x97: {  	_ =	strace $0x8FFFFFFF  }
0x98: {  	s18 =	sld [smem:$0x3FDB];
	_ =	sdelay $0x1  }
0x99: {  	s19 =	simm.s32 $_scs_section_size  }
0x9a: {  	s4 =	simm.s32 $_size__tile_overlayer_lowered;
	s5 =	simm.s32 $_tile_overlayer_lowered  }
0x9b: {  	s22 =	simm.s32 $0x1BFF;
	s21 =	sshll.u32 s5, $0x1;
	s2 =	sadd.s32 s19, s18  }
0x9c: {  	s6 =	simm.s32 $0x0;
	s20 =	sshll.u32 s4, $0x1;
	s4 =	sadd.s32 s21, s2  }
0x9d: {  	[timem:s6], [sflag:s22] =	dma.local [hbm:s4], s20  }
0x9e: {  	_ =	swait.ge [sflag:s22], s20  }
0x9f: {  	s3 =	ssub.s32 $0x0, s20;
	[sflag:s22] =	ssyncset.done $0x0  }
0xa0: {  	[sflag:s22] =	ssyncadd.s32 s3;
	_ =	sdelay $0x1  }
0xa1: {  	s23 =	simm.s32 $0x1B8B  }
0xa2: {  	_ =	swait.ge [sflag:s23], $0x1  }
0xa3: {  	[sflag:s23] =	ssyncset.done $0x0  }
0xa4: {  	s25 =	simm.s32 $0x1B8E;
	s24 =	sld [smem:$0x3FFE];
	[sflag:s23] =	ssyncadd.s32 $0xFFFFFFFF  }
0xa5: {  	s26 =	simm.s32 $execute0_lowered;
	[smem:$0x3FD2] =	sst s25  }
0xa6: {  	s4 =	sshll.u32 s26, $0x1;
	_ =	strace $0x80000046;
	[dreg:$0x1] =	wrdreg $0xFFFFFFFF  }
0xa7: {  	s28 =	simm.s32 $_size_execute0_lowered;
	s2 =	sadd.s32 s2, s4;
	[dreg:$0x0] =	wrdreg $0x0  }
0xa8: {  	s4 =	sshll.u32 s28, $0x1;
	[dreg:$0x2] =	wrdreg s2  }
0xa9: {  	[dreg:$0x3] =	wrdreg s4  }
0xaa: {  	[dreg:$0x4] =	wrdreg $0xC0  }
0xab: {  	_ =	task [dreg:s6], $0x5FFFF  }
0xac: {  	[dreg:$0x1] =	wrdreg $0xFFFFFFFF  }
0xad: {  	[dreg:$0x0] =	wrdreg $0x60  }
0xae: {  	[dreg:$0x2] =	wrdreg s24  }
0xaf: {  	[dreg:$0x3] =	wrdreg $0x9  }
0xb0: {  	_ =	task.clear_ibuf [dreg:s6], $0x4FFFF;
	_ =	strace $0x90000046  }
0xb1: {  	s29 =	simm.s32 $0x9;
	_ =	strace $0x80000048  }
0xb2: {  	_ =	swait.ge [sflag:s29], $0x1  }
0xb3: {  	[sflag:s29] =	ssyncadd.s32 $0xFFFFFFFF  }
0xb4: {  	_ =	strace $0x90000048  }
0xb5: {  	_ =	sfence  }
0xb6: {  	s30 =	sld [smem:$0x0];
	_ =	sdelay $0x2  }
0xb7: {  	s31 =	sshll.u32 s1, $0xD;
	s1 =	sshrl.u32 s1, $0x2  }
0xb8: {  	s3 =	sand.u32 $0x4000, s31;
	s1 =	sadd.s32 s1, s30  }
0xb9: {  	s0 =	sor.u32 s3, s0;
	s1 =	sshll.u32 s1, $0x11  }
0xba: {  	s0 =	sor.u32 s1, s0  }
0xbb: {  	s0 =	sadd.s32 $0x8F2B, s0  }
0xbc: {  	[sflag:s0] =	ssyncadd.remote.s32 $0x1  }
0xbd: {  	_ =	sfence.sel $0xFFFF  }
0xbe: {  	[dreg:$0x0] =	wrdreg $0xFFFFFFFF;
	(pc) =	sbr.abs _section_cstart, $3  }
0xbf: {  	[dreg:$0x1] =	wrdreg $0xFFFFFFFF  }
0xc0: {  	_ =	task.clear_ibuf [dreg:s6], $0x2FFFF;
	_ =	strace $0x9FFFFFFF  }
0xc1: {  	(tm) =	ssettm $0x7FFFFFFF  }
tec
execute0_lowered:
.L_overlay_start_1:
0x0: {  	(tag) =	ssettag $0x1  }
0x1: {  	s2 =	srdreg.scid  }
0x2: {  	s4 =	sand.u32 $0x1, s2  }
0x3: {  	s5 =	sshll.u32 s4, $0x4;
	s4 =	ssub.s32 $0x2, s4  }
0x4: {  	s3 =	rddreg [dreg:$0x0];
	s31 =	sshrl.u32 s4, $0x1  }
0x5: {  	s0 =	rddreg [dreg:$0x1];
	s1 =	simm.s32 $0x0;
	s4 =	ssub.s32 s4, s31  }
0x6: {  	v0 =	vimm.f32 $0.0e+00;
	[smem:$0x7FF] =	sst s1;
	s3 =	sadd.s32 s5, s3;
	s5 =	smax.u32 s4, $0x1  }
0x7: {  	s2 =	stileid.u32;
	_ =	strace $0x80000047;
	[tilespmem:$0x0] =	vst v0;
	p0 =	sne.s32 s5, $0x1  }
.Ltmp0:
0x8: {  	s6 =	sshll.u32 s2, $0x5;
	[tilespmem:$0x30] =	vst v0;
	(pc) =	sbr.rel @!p0 .LBB2_2-.Ltmp0, $4  }
0x9: {  	[tilespmem:$0x20] =	vst v0;
	s3 =	sadd.s32 s6, s3  }
0xa: {  	[tilespmem:$0x10] =	vst v0;
	s3 =	sadd.s32 $0x2A00, s3;
	s4 =	simm.s32 $0x1  }
0xb: {  	[hbm4b:s3+s1] =	stream.linear.scatter [tilespmem:s1], [sflag:$0x1], $0x80, $0x38;
	[tilespmem:$0x80] =	vst v63  }
0xc: {  	s5 =	sadd.s32 $0xFFFFFFFF, s5;
	_ =	swait.ge [sflag:s4], $0x80  }
.LBB2_1:
0xd: {  	p0 =	sne.s32 s5, $0x1;
	[sflag:s4] =	ssyncset.done $0x0  }
0xe: {  	[sflag:s4] =	ssyncadd.s32 $0xFFFFFF80  }
.Ltmp1:
0xf: {  	[tilespmem:$0x0] =	vst v0;
	(pc) =	sbr.rel @p0 .LBB2_1-.Ltmp1, $4  }
0x10: {  	[tilespmem:$0x30] =	vst v0  }
0x11: {  	[tilespmem:$0x20] =	vst v0  }
0x12: {  	[tilespmem:$0x10] =	vst v0;
	[hbm4b:s3+s1] =	stream.linear.scatter [tilespmem:s1], [sflag:$0x1], $0x80, $0x38  }
0x13: {  	s5 =	sadd.s32 $0xFFFFFFFF, s5;
	_ =	swait.ge [sflag:s4], $0x80  }
.LBB2_2:
0x14: {  	[sflag:s4] =	ssyncset.done $0x0  }
0x15: {  	[sflag:s4] =	ssyncadd.s32 $0xFFFFFF80  }
0x16: {  	_ =	sfence.sel $0x180000  }
0x17: {  	[bflag:$0x0] =	sbarrier.arrive $0xFFFF  }
0x18: {  	p0 =	sne.s32 s2, $0x0;
	_ =	strace $0x90000047  }
0x19: {  	s0 =	sadd.s32 @!p0 $0x100000, s0;
	[bflag:$0x2] =	sbarrier.arrive $0xFFFF  }
0x1a: {  	[sflag:s0] =	ssyncadd.tile.s32 @!p0 $0x1;
	_ =	shalt  }
.Lfunc_end2:
_tile_overlayer_lowered:
.L_overlay_start_2:
0x1b: {  	(tag) =	ssettag $0x2  }
0x1c: {  	s0 =	rddreg [dreg:$0x0];
	s2 =	stileid.u32  }
0x1d: {  	s1 =	rddreg [dreg:$0x1];
	p0 =	sne.s32 s2, $0x0  }
0x1e: {  	s3 =	rddreg [dreg:$0x2];
	[bflag:$0x3] =	sbarrier.arrive $0xFFFF;
	s2 =	simm.s32 @!p0 $0x1C01  }
0x1f: {  	[timem:s3], [sflag:s2] =	dma.local @!p0 [hbm:s0], s1  }
0x20: {  	s0 =	simm.s32 @!p0 $0x1  }
0x21: {  	_ =	swait.ge @!p0 [sflag:s0], s1  }
0x22: {  	s1 =	ssub.s32 @!p0 $0x0, s1;
	[sflag:s0] =	ssyncset.done @!p0 $0x0  }
0x23: {  	[sflag:s0] =	ssyncadd.s32 @!p0 s1  }
0x24: {  	[bflag:$0x3] =	sbarrier.arrive $0xFFFF  }
0x25: {  	_ =	shalt  }

</sc_bundles>
